<compile_context>
chip_gen: v7x
topology: tpu7x:2x2x1
jax: 0.10.2.dev20260603
libtpu: 0.0.44.dev20260713+nightly
codegen_flags: <defaults>
</compile_context>

<pallas_src>
import functools

import jax
import jax.numpy as jnp
from jax import lax
from jax.experimental import pallas as pl
from jax.experimental.pallas import tpu as pltpu
from jax.experimental.pallas import tpu_sc as plsc

_FULL_ROWS = 100_000
_FULL_COLS = 128
_N_ALLOC = _FULL_ROWS * _FULL_COLS
_NUM_BANK = 1_280_000
_NUM_CORES = 2
_NUM_SUBCORES = 16
_NW = _NUM_CORES * _NUM_SUBCORES
_PER_W = _N_ALLOC // _NW
_CHUNK = 4_000
_NCHUNK = _PER_W // _CHUNK
_NBUF = 4
_GLAG = _NBUF // 2
_NITER = _NCHUNK // _NBUF
_BANK_SLICE = _NUM_BANK // _NUM_SUBCORES


def _make_gather():
    mesh = plsc.VectorSubcoreMesh(
        core_axis_name="c", subcore_axis_name="s")

    @functools.partial(
        pl.kernel,
        mesh=mesh,
        out_type=jax.ShapeDtypeStruct((_N_ALLOC,), jnp.float32),
        scratch_types=(
            [pltpu.VMEM_SHARED((_NUM_BANK,), jnp.float32)]
            + [pltpu.VMEM((_CHUNK,), jnp.int32) for _ in range(_NBUF)]
            + [pltpu.VMEM((_CHUNK,), jnp.float32) for _ in range(_NBUF)]
            + [pltpu.SemaphoreType.DMA for _ in range(3 * _NBUF)]
        ),
    )
    def gather_kernel(bank_hbm, wa_hbm, out_hbm, bank_sh, *bufs):
        idx_v = bufs[0:_NBUF]
        rows_v = bufs[_NBUF:2 * _NBUF]
        sem_i = bufs[2 * _NBUF:3 * _NBUF]
        sem_o = bufs[3 * _NBUF:4 * _NBUF]
        sem_g = bufs[4 * _NBUF:5 * _NBUF]

        sid = lax.axis_index("s")
        wid = lax.axis_index("c") * _NUM_SUBCORES + sid
        base = wid * _PER_W

        def idx_start(k, j):
            pltpu.async_copy(
                wa_hbm.at[pl.ds(base + k * _CHUNK, _CHUNK)],
                idx_v[j], sem_i[j])

        def idx_wait(j):
            pltpu.make_async_copy(
                wa_hbm.at[pl.ds(base, _CHUNK)], idx_v[j], sem_i[j]).wait()

        def gather_start(j):
            pltpu.async_copy(bank_sh.at[idx_v[j]], rows_v[j], sem_g[j])

        def gather_wait(j):
            pltpu.make_async_copy(
                bank_sh.at[idx_v[j]], rows_v[j], sem_g[j]).wait()

        def out_start(k, j):
            pltpu.async_copy(
                rows_v[j], out_hbm.at[pl.ds(base + k * _CHUNK, _CHUNK)],
                sem_o[j])

        def out_wait(j):
            pltpu.make_async_copy(
                rows_v[j], out_hbm.at[pl.ds(base, _CHUNK)], sem_o[j]).wait()

        for j in range(_GLAG):
            idx_start(j, j)

        boff = sid * _BANK_SLICE
        pltpu.sync_copy(bank_hbm.at[pl.ds(boff, _BANK_SLICE)],
                        bank_sh.at[pl.ds(boff, _BANK_SLICE)])
        plsc.subcore_barrier()

        def body(i, carry):
            for j in range(_NBUF):
                k = i * _NBUF + j
                jl = (j + _GLAG) % _NBUF

                idx_wait(j)

                @pl.when(k >= _NBUF)
                def _():
                    out_wait(j)

                gather_start(j)

                @pl.when(k >= _GLAG)
                def _():
                    gather_wait(jl)
                    pltpu.async_copy(
                        rows_v[jl],
                        out_hbm.at[pl.ds(base + (k - _GLAG) * _CHUNK,
                                         _CHUNK)],
                        sem_o[jl])

                @pl.when(k + _GLAG < _NCHUNK)
                def _():
                    idx_start(k + _GLAG, jl)
            return carry

        lax.fori_loop(0, _NITER, body, 0)

        for j in range(_GLAG, _NBUF):
            gather_wait(j)
            out_start(_NCHUNK - _NBUF + j, j)
        for j in range(_NBUF):
            out_wait(j)

    return gather_kernel


_gather = _make_gather()


@jax.jit
def kernel(bank, weight_alloc):
    wa = weight_alloc.reshape(-1).astype(jnp.int32)
    out = _gather(bank, wa)
    return out.reshape(_FULL_ROWS, _FULL_COLS)

# --- scband reference (transcript-rebuilt; emitter-appended) ---
"""Pipeline reference for scband-tied-tensor-10110353014930 (READ-ONLY COPY).

The authoritative reference and input builder live on the scoring server;
editing this copy changes nothing except your own understanding.
"""

import jax, jax.numpy as jnp
import numpy as np

FULL = (100000, 128)
INITIAL_SPARSITY = 0.9

def _build_weight_alloc(n_alloc, num_weights):
    # uniform_coverage: tile arange(num_weights) across n_alloc slots
    reps = np.zeros(n_alloc, dtype=np.int64)
    pe = np.arange(num_weights, dtype=np.int64)
    for i in range(0, n_alloc, num_weights):
        reps[i:i + num_weights] = pe[:min(num_weights, n_alloc - i)]
    rng = np.random.RandomState(0)
    indices = np.arange(n_alloc)
    rng.shuffle(indices)
    wa = np.zeros(n_alloc, dtype=np.int64)
    wa[indices] = reps
    return wa

def setup_inputs(seed: int = 0) -> dict:
    n_alloc = FULL[0] * FULL[1]  # ndim==2, sub_kernel_granularity False -> prod(full[:2]) == prod(full)
    num_weights = round((1.0 - INITIAL_SPARSITY) * n_alloc)  # 1,280,000 unique weights
    wa = _build_weight_alloc(n_alloc, num_weights)
    key = jax.random.key(seed)
    stdv = 1.0 / np.sqrt(float(FULL[1]))  # 1/sqrt(prod(full[1:]))
    bank = jax.random.uniform(key, (num_weights,), minval=-stdv, maxval=stdv, dtype=jnp.float32)
    bank = bank.at[0].set(0.0)
    return {"bank": bank, "weight_alloc": jnp.asarray(wa, dtype=jnp.int64)}

def reference(bank, weight_alloc):
    # TiedTensor.forward: self.bank[self.weight_alloc].view(self.full_tensor_size)
    return jnp.take(bank, weight_alloc, axis=0).reshape(FULL)

if __name__ == "__main__":
    import jax
    _d = setup_inputs()
    print(jax.jit(kernel)(*tuple(_d.values())))

</pallas_src>

<mosaic_0001>
#map = affine_map<(d0, d1) -> (0)>
module attributes {stable_mosaic.version = 14 : i64} {
  func.func @gather_kernel(%arg0: i32, %arg1: i32, %arg2: memref<1280000xf32, #tpu.memory_space<hbm>>, %arg3: memref<12800000xi32, #tpu.memory_space<hbm>>, %arg4: memref<12800000xf32, #tpu.memory_space<hbm>>, %arg5: memref<1280000xf32, #tpu.memory_space<vmem_shared>>, %arg6: memref<4000xi32, #tpu.memory_space<vmem>>, %arg7: memref<4000xi32, #tpu.memory_space<vmem>>, %arg8: memref<4000xi32, #tpu.memory_space<vmem>>, %arg9: memref<4000xi32, #tpu.memory_space<vmem>>, %arg10: memref<4000xf32, #tpu.memory_space<vmem>>, %arg11: memref<4000xf32, #tpu.memory_space<vmem>>, %arg12: memref<4000xf32, #tpu.memory_space<vmem>>, %arg13: memref<4000xf32, #tpu.memory_space<vmem>>, %arg14: memref<!tpu.dma_semaphore, #tpu.memory_space<semaphore_mem>>, %arg15: memref<!tpu.dma_semaphore, #tpu.memory_space<semaphore_mem>>, %arg16: memref<!tpu.dma_semaphore, #tpu.memory_space<semaphore_mem>>, %arg17: memref<!tpu.dma_semaphore, #tpu.memory_space<semaphore_mem>>, %arg18: memref<!tpu.dma_semaphore, #tpu.memory_space<semaphore_mem>>, %arg19: memref<!tpu.dma_semaphore, #tpu.memory_space<semaphore_mem>>, %arg20: memref<!tpu.dma_semaphore, #tpu.memory_space<semaphore_mem>>, %arg21: memref<!tpu.dma_semaphore, #tpu.memory_space<semaphore_mem>>, %arg22: memref<!tpu.dma_semaphore, #tpu.memory_space<semaphore_mem>>, %arg23: memref<!tpu.dma_semaphore, #tpu.memory_space<semaphore_mem>>, %arg24: memref<!tpu.dma_semaphore, #tpu.memory_space<semaphore_mem>>, %arg25: memref<!tpu.dma_semaphore, #tpu.memory_space<semaphore_mem>>) attributes {dimension_semantics = [#tpu.dimension_semantics<core_parallel>, #tpu.dimension_semantics<subcore_parallel>], iteration_bounds = array<i64: 2, 16>, scalar_prefetch = 0 : i64, scratch_operands = 21 : i64, tpu.core_type = #tpu.core_type<sc_vector_subcore>, window_params = [{transform_indices = #map}, {transform_indices = #map}, {transform_indices = #map}]} {
    %mul3A = arith.constant 16 : i32
    %mul3A_0 = arith.muli %arg0, %mul3A : i32
    %add3A = arith.addi %mul3A_0, %arg1 : i32
    %mul3A_1 = arith.constant 400000 : i32
    %mul3A_2 = arith.muli %add3A, %mul3A_1 : i32
    %add3A_3 = arith.constant 0 : i32
    %add3A_4 = arith.addi %mul3A_2, %add3A_3 : i32
    %dma_start3A = tpu.memref_slice %arg3[%add3A_4] : memref<12800000xi32, #tpu.memory_space<hbm>> -> memref<4000xi32, #tpu.memory_space<hbm>>
    %dma_start3A_5 = tpu.memref_slice %arg3[%add3A_4] : memref<12800000xi32, #tpu.memory_space<hbm>> -> memref<4000xi32, #tpu.memory_space<hbm>>
    tpu.enqueue_dma source(%dma_start3A_5 : memref<4000xi32, #tpu.memory_space<hbm>>) target(%arg6 : memref<4000xi32, #tpu.memory_space<vmem>>) target_semaphore(%arg14 : memref<!tpu.dma_semaphore, #tpu.memory_space<semaphore_mem>>)
    %add3A_6 = arith.constant 4000 : i32
    %add3A_7 = arith.addi %mul3A_2, %add3A_6 : i32
    %dma_start3A_8 = tpu.memref_slice %arg3[%add3A_7] : memref<12800000xi32, #tpu.memory_space<hbm>> -> memref<4000xi32, #tpu.memory_space<hbm>>
    %dma_start3A_9 = tpu.memref_slice %arg3[%add3A_7] : memref<12800000xi32, #tpu.memory_space<hbm>> -> memref<4000xi32, #tpu.memory_space<hbm>>
    tpu.enqueue_dma source(%dma_start3A_9 : memref<4000xi32, #tpu.memory_space<hbm>>) target(%arg7 : memref<4000xi32, #tpu.memory_space<vmem>>) target_semaphore(%arg15 : memref<!tpu.dma_semaphore, #tpu.memory_space<semaphore_mem>>)
    %mul3A_10 = arith.constant 80000 : i32
    %mul3A_11 = arith.muli %arg1, %mul3A_10 : i32
    "tpu.region"() ({
      %run_scoped3A = tpu.sem_alloc : memref<!tpu.dma_semaphore, #tpu.memory_space<semaphore_mem>>
      %dma_start3A_36 = tpu.memref_slice %arg5[%mul3A_11] : memref<1280000xf32, #tpu.memory_space<vmem_shared>> -> memref<80000xf32, #tpu.memory_space<vmem_shared>>
      %dma_start3A_37 = tpu.memref_slice %arg2[%mul3A_11] : memref<1280000xf32, #tpu.memory_space<hbm>> -> memref<80000xf32, #tpu.memory_space<hbm>>
      tpu.enqueue_dma source(%dma_start3A_37 : memref<80000xf32, #tpu.memory_space<hbm>>) target(%dma_start3A_36 : memref<80000xf32, #tpu.memory_space<vmem_shared>>) target_semaphore(%run_scoped3A : memref<!tpu.dma_semaphore, #tpu.memory_space<semaphore_mem>>)
      %dma_wait3A_38 = tpu.memref_slice %arg5[%mul3A_11] : memref<1280000xf32, #tpu.memory_space<vmem_shared>> -> memref<80000xf32, #tpu.memory_space<vmem_shared>>
      %dma_wait3A_39 = tpu.memref_slice %arg2[%mul3A_11] : memref<1280000xf32, #tpu.memory_space<hbm>> -> memref<80000xf32, #tpu.memory_space<hbm>>
      tpu.wait_dma2 semaphore(%run_scoped3A : memref<!tpu.dma_semaphore, #tpu.memory_space<semaphore_mem>>) src(%dma_wait3A_39 : memref<80000xf32, #tpu.memory_space<hbm>>) dst(%dma_wait3A_38 : memref<80000xf32, #tpu.memory_space<vmem_shared>>)
      tpu.yield
    }) : () -> ()
    %barrier3A = arith.constant 0 : index
    tpu.barrier barrier_id(%barrier3A)
    %scan3A = arith.constant 0 : i32
    %scan3A_12 = arith.constant 0 : i32
    %scan3A_13 = arith.constant 25 : i32
    %scan3A_14 = arith.addi %scan3A_12, %scan3A_13 : i32
    %scan3A_15 = arith.constant 1 : i32
    scf.for %scan3A_36 = %scan3A_12 to %scan3A_14 step %scan3A_15  : i32 {
      %mul3A_37 = arith.constant 4 : i32
      %mul3A_38 = arith.muli %scan3A_36, %mul3A_37 : i32
      %add3A_39 = arith.constant 0 : i32
      %add3A_40 = arith.addi %mul3A_38, %add3A_39 : i32
      %dma_wait3A_41 = tpu.memref_slice %arg3[%mul3A_2] : memref<12800000xi32, #tpu.memory_space<hbm>> -> memref<4000xi32, #tpu.memory_space<hbm>>
      %dma_wait3A_42 = tpu.memref_slice %arg3[%mul3A_2] : memref<12800000xi32, #tpu.memory_space<hbm>> -> memref<4000xi32, #tpu.memory_space<hbm>>
      tpu.wait_dma2 semaphore(%arg14 : memref<!tpu.dma_semaphore, #tpu.memory_space<semaphore_mem>>) src(%dma_wait3A_42 : memref<4000xi32, #tpu.memory_space<hbm>>) dst(%arg6 : memref<4000xi32, #tpu.memory_space<vmem>>)
      %ge3A = arith.constant 4 : i32
      %ge3A_43 = arith.cmpi sge, %add3A_40, %ge3A : i32
      %convert_element_type3A = arith.extui %ge3A_43 : i1 to i32
      %cond3A = arith.constant 0 : i32
      %cond3A_44 = arith.cmpi ne, %convert_element_type3A, %cond3A : i32
      scf.if %cond3A_44 {
        %dma_wait3A_133 = tpu.memref_slice %arg4[%mul3A_2] : memref<12800000xf32, #tpu.memory_space<hbm>> -> memref<4000xf32, #tpu.memory_space<hbm>>
        %dma_wait3A_134 = tpu.memref_slice %arg4[%mul3A_2] : memref<12800000xf32, #tpu.memory_space<hbm>> -> memref<4000xf32, #tpu.memory_space<hbm>>
        tpu.wait_dma2 semaphore(%arg18 : memref<!tpu.dma_semaphore, #tpu.memory_space<semaphore_mem>>) src(%arg10 : memref<4000xf32, #tpu.memory_space<vmem>>) dst(%dma_wait3A_134 : memref<4000xf32, #tpu.memory_space<hbm>>)
      } else {
      }
      %dma_start3A_45 = arith.constant 0 : i32
      %dma_start3A_46 = tpu.memref_slice %arg5[%dma_start3A_45] : memref<1280000xf32, #tpu.memory_space<vmem_shared>> -> memref<1280000xf32, #tpu.memory_space<vmem_shared>>
      tpu.enqueue_indirect_dma source(%dma_start3A_46 : memref<1280000xf32, #tpu.memory_space<vmem_shared>>) target(%arg10 : memref<4000xf32, #tpu.memory_space<vmem>>) offsets(%arg6 : memref<4000xi32, #tpu.memory_space<vmem>>) semaphore(%arg22 : memref<!tpu.dma_semaphore, #tpu.memory_space<semaphore_mem>>)
      %ge3A_47 = arith.constant 2 : i32
      %ge3A_48 = arith.cmpi sge, %add3A_40, %ge3A_47 : i32
      %convert_element_type3A_49 = arith.extui %ge3A_48 : i1 to i32
      %cond3A_50 = arith.constant 0 : i32
      %cond3A_51 = arith.cmpi ne, %convert_element_type3A_49, %cond3A_50 : i32
      scf.if %cond3A_51 {
        %dma_wait3A_133 = arith.constant 0 : i32
        %dma_wait3A_134 = tpu.memref_slice %arg5[%dma_wait3A_133] : memref<1280000xf32, #tpu.memory_space<vmem_shared>> -> memref<1280000xf32, #tpu.memory_space<vmem_shared>>
        tpu.wait_indirect_dma semaphore(%arg24 : memref<!tpu.dma_semaphore, #tpu.memory_space<semaphore_mem>>) src(%dma_wait3A_134 : memref<1280000xf32, #tpu.memory_space<vmem_shared>>) dst(%arg12 : memref<4000xf32, #tpu.memory_space<vmem>>)
        %sub3A = arith.constant 2 : i32
        %sub3A_135 = arith.subi %add3A_40, %sub3A : i32
        %mul3A_136 = arith.constant 4000 : i32
        %mul3A_137 = arith.muli %sub3A_135, %mul3A_136 : i32
        %add3A_138 = arith.addi %mul3A_2, %mul3A_137 : i32
        %dma_start3A_139 = tpu.memref_slice %arg4[%add3A_138] : memref<12800000xf32, #tpu.memory_space<hbm>> -> memref<4000xf32, #tpu.memory_space<hbm>>
        %dma_start3A_140 = tpu.memref_slice %arg4[%add3A_138] : memref<12800000xf32, #tpu.memory_space<hbm>> -> memref<4000xf32, #tpu.memory_space<hbm>>
        tpu.enqueue_dma source(%arg12 : memref<4000xf32, #tpu.memory_space<vmem>>) target(%dma_start3A_140 : memref<4000xf32, #tpu.memory_space<hbm>>) target_semaphore(%arg20 : memref<!tpu.dma_semaphore, #tpu.memory_space<semaphore_mem>>)
      } else {
      }
      %add3A_52 = arith.constant 2 : i32
      %add3A_53 = arith.addi %add3A_40, %add3A_52 : i32
      %lt3A = arith.constant 100 : i32
      %lt3A_54 = arith.cmpi slt, %add3A_53, %lt3A : i32
      %convert_element_type3A_55 = arith.extui %lt3A_54 : i1 to i32
      %cond3A_56 = arith.constant 0 : i32
      %cond3A_57 = arith.cmpi ne, %convert_element_type3A_55, %cond3A_56 : i32
      scf.if %cond3A_57 {
        %add3A_133 = arith.constant 2 : i32
        %add3A_134 = arith.addi %add3A_40, %add3A_133 : i32
        %mul3A_135 = arith.constant 4000 : i32
        %mul3A_136 = arith.muli %add3A_134, %mul3A_135 : i32
        %add3A_137 = arith.addi %mul3A_2, %mul3A_136 : i32
        %dma_start3A_138 = tpu.memref_slice %arg3[%add3A_137] : memref<12800000xi32, #tpu.memory_space<hbm>> -> memref<4000xi32, #tpu.memory_space<hbm>>
        %dma_start3A_139 = tpu.memref_slice %arg3[%add3A_137] : memref<12800000xi32, #tpu.memory_space<hbm>> -> memref<4000xi32, #tpu.memory_space<hbm>>
        tpu.enqueue_dma source(%dma_start3A_139 : memref<4000xi32, #tpu.memory_space<hbm>>) target(%arg8 : memref<4000xi32, #tpu.memory_space<vmem>>) target_semaphore(%arg16 : memref<!tpu.dma_semaphore, #tpu.memory_space<semaphore_mem>>)
      } else {
      }
      %mul3A_58 = arith.constant 4 : i32
      %mul3A_59 = arith.muli %scan3A_36, %mul3A_58 : i32
      %add3A_60 = arith.constant 1 : i32
      %add3A_61 = arith.addi %mul3A_59, %add3A_60 : i32
      %dma_wait3A_62 = tpu.memref_slice %arg3[%mul3A_2] : memref<12800000xi32, #tpu.memory_space<hbm>> -> memref<4000xi32, #tpu.memory_space<hbm>>
      %dma_wait3A_63 = tpu.memref_slice %arg3[%mul3A_2] : memref<12800000xi32, #tpu.memory_space<hbm>> -> memref<4000xi32, #tpu.memory_space<hbm>>
      tpu.wait_dma2 semaphore(%arg15 : memref<!tpu.dma_semaphore, #tpu.memory_space<semaphore_mem>>) src(%dma_wait3A_63 : memref<4000xi32, #tpu.memory_space<hbm>>) dst(%arg7 : memref<4000xi32, #tpu.memory_space<vmem>>)
      %ge3A_64 = arith.constant 4 : i32
      %ge3A_65 = arith.cmpi sge, %add3A_61, %ge3A_64 : i32
      %convert_element_type3A_66 = arith.extui %ge3A_65 : i1 to i32
      %cond3A_67 = arith.constant 0 : i32
      %cond3A_68 = arith.cmpi ne, %convert_element_type3A_66, %cond3A_67 : i32
      scf.if %cond3A_68 {
        %dma_wait3A_133 = tpu.memref_slice %arg4[%mul3A_2] : memref<12800000xf32, #tpu.memory_space<hbm>> -> memref<4000xf32, #tpu.memory_space<hbm>>
        %dma_wait3A_134 = tpu.memref_slice %arg4[%mul3A_2] : memref<12800000xf32, #tpu.memory_space<hbm>> -> memref<4000xf32, #tpu.memory_space<hbm>>
        tpu.wait_dma2 semaphore(%arg19 : memref<!tpu.dma_semaphore, #tpu.memory_space<semaphore_mem>>) src(%arg11 : memref<4000xf32, #tpu.memory_space<vmem>>) dst(%dma_wait3A_134 : memref<4000xf32, #tpu.memory_space<hbm>>)
      } else {
      }
      %dma_start3A_69 = arith.constant 0 : i32
      %dma_start3A_70 = tpu.memref_slice %arg5[%dma_start3A_69] : memref<1280000xf32, #tpu.memory_space<vmem_shared>> -> memref<1280000xf32, #tpu.memory_space<vmem_shared>>
      tpu.enqueue_indirect_dma source(%dma_start3A_70 : memref<1280000xf32, #tpu.memory_space<vmem_shared>>) target(%arg11 : memref<4000xf32, #tpu.memory_space<vmem>>) offsets(%arg7 : memref<4000xi32, #tpu.memory_space<vmem>>) semaphore(%arg23 : memref<!tpu.dma_semaphore, #tpu.memory_space<semaphore_mem>>)
      %ge3A_71 = arith.constant 2 : i32
      %ge3A_72 = arith.cmpi sge, %add3A_61, %ge3A_71 : i32
      %convert_element_type3A_73 = arith.extui %ge3A_72 : i1 to i32
      %cond3A_74 = arith.constant 0 : i32
      %cond3A_75 = arith.cmpi ne, %convert_element_type3A_73, %cond3A_74 : i32
      scf.if %cond3A_75 {
        %dma_wait3A_133 = arith.constant 0 : i32
        %dma_wait3A_134 = tpu.memref_slice %arg5[%dma_wait3A_133] : memref<1280000xf32, #tpu.memory_space<vmem_shared>> -> memref<1280000xf32, #tpu.memory_space<vmem_shared>>
        tpu.wait_indirect_dma semaphore(%arg25 : memref<!tpu.dma_semaphore, #tpu.memory_space<semaphore_mem>>) src(%dma_wait3A_134 : memref<1280000xf32, #tpu.memory_space<vmem_shared>>) dst(%arg13 : memref<4000xf32, #tpu.memory_space<vmem>>)
        %sub3A = arith.constant 2 : i32
        %sub3A_135 = arith.subi %add3A_61, %sub3A : i32
        %mul3A_136 = arith.constant 4000 : i32
        %mul3A_137 = arith.muli %sub3A_135, %mul3A_136 : i32
        %add3A_138 = arith.addi %mul3A_2, %mul3A_137 : i32
        %dma_start3A_139 = tpu.memref_slice %arg4[%add3A_138] : memref<12800000xf32, #tpu.memory_space<hbm>> -> memref<4000xf32, #tpu.memory_space<hbm>>
        %dma_start3A_140 = tpu.memref_slice %arg4[%add3A_138] : memref<12800000xf32, #tpu.memory_space<hbm>> -> memref<4000xf32, #tpu.memory_space<hbm>>
        tpu.enqueue_dma source(%arg13 : memref<4000xf32, #tpu.memory_space<vmem>>) target(%dma_start3A_140 : memref<4000xf32, #tpu.memory_space<hbm>>) target_semaphore(%arg21 : memref<!tpu.dma_semaphore, #tpu.memory_space<semaphore_mem>>)
      } else {
      }
      %add3A_76 = arith.constant 2 : i32
      %add3A_77 = arith.addi %add3A_61, %add3A_76 : i32
      %lt3A_78 = arith.constant 100 : i32
      %lt3A_79 = arith.cmpi slt, %add3A_77, %lt3A_78 : i32
      %convert_element_type3A_80 = arith.extui %lt3A_79 : i1 to i32
      %cond3A_81 = arith.constant 0 : i32
      %cond3A_82 = arith.cmpi ne, %convert_element_type3A_80, %cond3A_81 : i32
      scf.if %cond3A_82 {
        %add3A_133 = arith.constant 2 : i32
        %add3A_134 = arith.addi %add3A_61, %add3A_133 : i32
        %mul3A_135 = arith.constant 4000 : i32
        %mul3A_136 = arith.muli %add3A_134, %mul3A_135 : i32
        %add3A_137 = arith.addi %mul3A_2, %mul3A_136 : i32
        %dma_start3A_138 = tpu.memref_slice %arg3[%add3A_137] : memref<12800000xi32, #tpu.memory_space<hbm>> -> memref<4000xi32, #tpu.memory_space<hbm>>
        %dma_start3A_139 = tpu.memref_slice %arg3[%add3A_137] : memref<12800000xi32, #tpu.memory_space<hbm>> -> memref<4000xi32, #tpu.memory_space<hbm>>
        tpu.enqueue_dma source(%dma_start3A_139 : memref<4000xi32, #tpu.memory_space<hbm>>) target(%arg9 : memref<4000xi32, #tpu.memory_space<vmem>>) target_semaphore(%arg17 : memref<!tpu.dma_semaphore, #tpu.memory_space<semaphore_mem>>)
      } else {
      }
      %mul3A_83 = arith.constant 4 : i32
      %mul3A_84 = arith.muli %scan3A_36, %mul3A_83 : i32
      %add3A_85 = arith.constant 2 : i32
      %add3A_86 = arith.addi %mul3A_84, %add3A_85 : i32
      %dma_wait3A_87 = tpu.memref_slice %arg3[%mul3A_2] : memref<12800000xi32, #tpu.memory_space<hbm>> -> memref<4000xi32, #tpu.memory_space<hbm>>
      %dma_wait3A_88 = tpu.memref_slice %arg3[%mul3A_2] : memref<12800000xi32, #tpu.memory_space<hbm>> -> memref<4000xi32, #tpu.memory_space<hbm>>
      tpu.wait_dma2 semaphore(%arg16 : memref<!tpu.dma_semaphore, #tpu.memory_space<semaphore_mem>>) src(%dma_wait3A_88 : memref<4000xi32, #tpu.memory_space<hbm>>) dst(%arg8 : memref<4000xi32, #tpu.memory_space<vmem>>)
      %ge3A_89 = arith.constant 4 : i32
      %ge3A_90 = arith.cmpi sge, %add3A_86, %ge3A_89 : i32
      %convert_element_type3A_91 = arith.extui %ge3A_90 : i1 to i32
      %cond3A_92 = arith.constant 0 : i32
      %cond3A_93 = arith.cmpi ne, %convert_element_type3A_91, %cond3A_92 : i32
      scf.if %cond3A_93 {
        %dma_wait3A_133 = tpu.memref_slice %arg4[%mul3A_2] : memref<12800000xf32, #tpu.memory_space<hbm>> -> memref<4000xf32, #tpu.memory_space<hbm>>
        %dma_wait3A_134 = tpu.memref_slice %arg4[%mul3A_2] : memref<12800000xf32, #tpu.memory_space<hbm>> -> memref<4000xf32, #tpu.memory_space<hbm>>
        tpu.wait_dma2 semaphore(%arg20 : memref<!tpu.dma_semaphore, #tpu.memory_space<semaphore_mem>>) src(%arg12 : memref<4000xf32, #tpu.memory_space<vmem>>) dst(%dma_wait3A_134 : memref<4000xf32, #tpu.memory_space<hbm>>)
      } else {
      }
      %dma_start3A_94 = arith.constant 0 : i32
      %dma_start3A_95 = tpu.memref_slice %arg5[%dma_start3A_94] : memref<1280000xf32, #tpu.memory_space<vmem_shared>> -> memref<1280000xf32, #tpu.memory_space<vmem_shared>>
      tpu.enqueue_indirect_dma source(%dma_start3A_95 : memref<1280000xf32, #tpu.memory_space<vmem_shared>>) target(%arg12 : memref<4000xf32, #tpu.memory_space<vmem>>) offsets(%arg8 : memref<4000xi32, #tpu.memory_space<vmem>>) semaphore(%arg24 : memref<!tpu.dma_semaphore, #tpu.memory_space<semaphore_mem>>)
      %ge3A_96 = arith.constant 2 : i32
      %ge3A_97 = arith.cmpi sge, %add3A_86, %ge3A_96 : i32
      %convert_element_type3A_98 = arith.extui %ge3A_97 : i1 to i32
      %cond3A_99 = arith.constant 0 : i32
      %cond3A_100 = arith.cmpi ne, %convert_element_type3A_98, %cond3A_99 : i32
      scf.if %cond3A_100 {
        %dma_wait3A_133 = arith.constant 0 : i32
        %dma_wait3A_134 = tpu.memref_slice %arg5[%dma_wait3A_133] : memref<1280000xf32, #tpu.memory_space<vmem_shared>> -> memref<1280000xf32, #tpu.memory_space<vmem_shared>>
        tpu.wait_indirect_dma semaphore(%arg22 : memref<!tpu.dma_semaphore, #tpu.memory_space<semaphore_mem>>) src(%dma_wait3A_134 : memref<1280000xf32, #tpu.memory_space<vmem_shared>>) dst(%arg10 : memref<4000xf32, #tpu.memory_space<vmem>>)
        %sub3A = arith.constant 2 : i32
        %sub3A_135 = arith.subi %add3A_86, %sub3A : i32
        %mul3A_136 = arith.constant 4000 : i32
        %mul3A_137 = arith.muli %sub3A_135, %mul3A_136 : i32
        %add3A_138 = arith.addi %mul3A_2, %mul3A_137 : i32
        %dma_start3A_139 = tpu.memref_slice %arg4[%add3A_138] : memref<12800000xf32, #tpu.memory_space<hbm>> -> memref<4000xf32, #tpu.memory_space<hbm>>
        %dma_start3A_140 = tpu.memref_slice %arg4[%add3A_138] : memref<12800000xf32, #tpu.memory_space<hbm>> -> memref<4000xf32, #tpu.memory_space<hbm>>
        tpu.enqueue_dma source(%arg10 : memref<4000xf32, #tpu.memory_space<vmem>>) target(%dma_start3A_140 : memref<4000xf32, #tpu.memory_space<hbm>>) target_semaphore(%arg18 : memref<!tpu.dma_semaphore, #tpu.memory_space<semaphore_mem>>)
      } else {
      }
      %add3A_101 = arith.constant 2 : i32
      %add3A_102 = arith.addi %add3A_86, %add3A_101 : i32
      %lt3A_103 = arith.constant 100 : i32
      %lt3A_104 = arith.cmpi slt, %add3A_102, %lt3A_103 : i32
      %convert_element_type3A_105 = arith.extui %lt3A_104 : i1 to i32
      %cond3A_106 = arith.constant 0 : i32
      %cond3A_107 = arith.cmpi ne, %convert_element_type3A_105, %cond3A_106 : i32
      scf.if %cond3A_107 {
        %add3A_133 = arith.constant 2 : i32
        %add3A_134 = arith.addi %add3A_86, %add3A_133 : i32
        %mul3A_135 = arith.constant 4000 : i32
        %mul3A_136 = arith.muli %add3A_134, %mul3A_135 : i32
        %add3A_137 = arith.addi %mul3A_2, %mul3A_136 : i32
        %dma_start3A_138 = tpu.memref_slice %arg3[%add3A_137] : memref<12800000xi32, #tpu.memory_space<hbm>> -> memref<4000xi32, #tpu.memory_space<hbm>>
        %dma_start3A_139 = tpu.memref_slice %arg3[%add3A_137] : memref<12800000xi32, #tpu.memory_space<hbm>> -> memref<4000xi32, #tpu.memory_space<hbm>>
        tpu.enqueue_dma source(%dma_start3A_139 : memref<4000xi32, #tpu.memory_space<hbm>>) target(%arg6 : memref<4000xi32, #tpu.memory_space<vmem>>) target_semaphore(%arg14 : memref<!tpu.dma_semaphore, #tpu.memory_space<semaphore_mem>>)
      } else {
      }
      %mul3A_108 = arith.constant 4 : i32
      %mul3A_109 = arith.muli %scan3A_36, %mul3A_108 : i32
      %add3A_110 = arith.constant 3 : i32
      %add3A_111 = arith.addi %mul3A_109, %add3A_110 : i32
      %dma_wait3A_112 = tpu.memref_slice %arg3[%mul3A_2] : memref<12800000xi32, #tpu.memory_space<hbm>> -> memref<4000xi32, #tpu.memory_space<hbm>>
      %dma_wait3A_113 = tpu.memref_slice %arg3[%mul3A_2] : memref<12800000xi32, #tpu.memory_space<hbm>> -> memref<4000xi32, #tpu.memory_space<hbm>>
      tpu.wait_dma2 semaphore(%arg17 : memref<!tpu.dma_semaphore, #tpu.memory_space<semaphore_mem>>) src(%dma_wait3A_113 : memref<4000xi32, #tpu.memory_space<hbm>>) dst(%arg9 : memref<4000xi32, #tpu.memory_space<vmem>>)
      %ge3A_114 = arith.constant 4 : i32
      %ge3A_115 = arith.cmpi sge, %add3A_111, %ge3A_114 : i32
      %convert_element_type3A_116 = arith.extui %ge3A_115 : i1 to i32
      %cond3A_117 = arith.constant 0 : i32
      %cond3A_118 = arith.cmpi ne, %convert_element_type3A_116, %cond3A_117 : i32
      scf.if %cond3A_118 {
        %dma_wait3A_133 = tpu.memref_slice %arg4[%mul3A_2] : memref<12800000xf32, #tpu.memory_space<hbm>> -> memref<4000xf32, #tpu.memory_space<hbm>>
        %dma_wait3A_134 = tpu.memref_slice %arg4[%mul3A_2] : memref<12800000xf32, #tpu.memory_space<hbm>> -> memref<4000xf32, #tpu.memory_space<hbm>>
        tpu.wait_dma2 semaphore(%arg21 : memref<!tpu.dma_semaphore, #tpu.memory_space<semaphore_mem>>) src(%arg13 : memref<4000xf32, #tpu.memory_space<vmem>>) dst(%dma_wait3A_134 : memref<4000xf32, #tpu.memory_space<hbm>>)
      } else {
      }
      %dma_start3A_119 = arith.constant 0 : i32
      %dma_start3A_120 = tpu.memref_slice %arg5[%dma_start3A_119] : memref<1280000xf32, #tpu.memory_space<vmem_shared>> -> memref<1280000xf32, #tpu.memory_space<vmem_shared>>
      tpu.enqueue_indirect_dma source(%dma_start3A_120 : memref<1280000xf32, #tpu.memory_space<vmem_shared>>) target(%arg13 : memref<4000xf32, #tpu.memory_space<vmem>>) offsets(%arg9 : memref<4000xi32, #tpu.memory_space<vmem>>) semaphore(%arg25 : memref<!tpu.dma_semaphore, #tpu.memory_space<semaphore_mem>>)
      %ge3A_121 = arith.constant 2 : i32
      %ge3A_122 = arith.cmpi sge, %add3A_111, %ge3A_121 : i32
      %convert_element_type3A_123 = arith.extui %ge3A_122 : i1 to i32
      %cond3A_124 = arith.constant 0 : i32
      %cond3A_125 = arith.cmpi ne, %convert_element_type3A_123, %cond3A_124 : i32
      scf.if %cond3A_125 {
        %dma_wait3A_133 = arith.constant 0 : i32
        %dma_wait3A_134 = tpu.memref_slice %arg5[%dma_wait3A_133] : memref<1280000xf32, #tpu.memory_space<vmem_shared>> -> memref<1280000xf32, #tpu.memory_space<vmem_shared>>
        tpu.wait_indirect_dma semaphore(%arg23 : memref<!tpu.dma_semaphore, #tpu.memory_space<semaphore_mem>>) src(%dma_wait3A_134 : memref<1280000xf32, #tpu.memory_space<vmem_shared>>) dst(%arg11 : memref<4000xf32, #tpu.memory_space<vmem>>)
        %sub3A = arith.constant 2 : i32
        %sub3A_135 = arith.subi %add3A_111, %sub3A : i32
        %mul3A_136 = arith.constant 4000 : i32
        %mul3A_137 = arith.muli %sub3A_135, %mul3A_136 : i32
        %add3A_138 = arith.addi %mul3A_2, %mul3A_137 : i32
        %dma_start3A_139 = tpu.memref_slice %arg4[%add3A_138] : memref<12800000xf32, #tpu.memory_space<hbm>> -> memref<4000xf32, #tpu.memory_space<hbm>>
        %dma_start3A_140 = tpu.memref_slice %arg4[%add3A_138] : memref<12800000xf32, #tpu.memory_space<hbm>> -> memref<4000xf32, #tpu.memory_space<hbm>>
        tpu.enqueue_dma source(%arg11 : memref<4000xf32, #tpu.memory_space<vmem>>) target(%dma_start3A_140 : memref<4000xf32, #tpu.memory_space<hbm>>) target_semaphore(%arg19 : memref<!tpu.dma_semaphore, #tpu.memory_space<semaphore_mem>>)
      } else {
      }
      %add3A_126 = arith.constant 2 : i32
      %add3A_127 = arith.addi %add3A_111, %add3A_126 : i32
      %lt3A_128 = arith.constant 100 : i32
      %lt3A_129 = arith.cmpi slt, %add3A_127, %lt3A_128 : i32
      %convert_element_type3A_130 = arith.extui %lt3A_129 : i1 to i32
      %cond3A_131 = arith.constant 0 : i32
      %cond3A_132 = arith.cmpi ne, %convert_element_type3A_130, %cond3A_131 : i32
      scf.if %cond3A_132 {
        %add3A_133 = arith.constant 2 : i32
        %add3A_134 = arith.addi %add3A_111, %add3A_133 : i32
        %mul3A_135 = arith.constant 4000 : i32
        %mul3A_136 = arith.muli %add3A_134, %mul3A_135 : i32
        %add3A_137 = arith.addi %mul3A_2, %mul3A_136 : i32
        %dma_start3A_138 = tpu.memref_slice %arg3[%add3A_137] : memref<12800000xi32, #tpu.memory_space<hbm>> -> memref<4000xi32, #tpu.memory_space<hbm>>
        %dma_start3A_139 = tpu.memref_slice %arg3[%add3A_137] : memref<12800000xi32, #tpu.memory_space<hbm>> -> memref<4000xi32, #tpu.memory_space<hbm>>
        tpu.enqueue_dma source(%dma_start3A_139 : memref<4000xi32, #tpu.memory_space<hbm>>) target(%arg7 : memref<4000xi32, #tpu.memory_space<vmem>>) target_semaphore(%arg15 : memref<!tpu.dma_semaphore, #tpu.memory_space<semaphore_mem>>)
      } else {
      }
    }
    %scan3A_16 = arith.constant 25 : i32
    %dma_wait3A = arith.constant 0 : i32
    %dma_wait3A_17 = tpu.memref_slice %arg5[%dma_wait3A] : memref<1280000xf32, #tpu.memory_space<vmem_shared>> -> memref<1280000xf32, #tpu.memory_space<vmem_shared>>
    tpu.wait_indirect_dma semaphore(%arg24 : memref<!tpu.dma_semaphore, #tpu.memory_space<semaphore_mem>>) src(%dma_wait3A_17 : memref<1280000xf32, #tpu.memory_space<vmem_shared>>) dst(%arg12 : memref<4000xf32, #tpu.memory_space<vmem>>)
    %add3A_18 = arith.constant 392000 : i32
    %add3A_19 = arith.addi %mul3A_2, %add3A_18 : i32
    %dma_start3A_20 = tpu.memref_slice %arg4[%add3A_19] : memref<12800000xf32, #tpu.memory_space<hbm>> -> memref<4000xf32, #tpu.memory_space<hbm>>
    %dma_start3A_21 = tpu.memref_slice %arg4[%add3A_19] : memref<12800000xf32, #tpu.memory_space<hbm>> -> memref<4000xf32, #tpu.memory_space<hbm>>
    tpu.enqueue_dma source(%arg12 : memref<4000xf32, #tpu.memory_space<vmem>>) target(%dma_start3A_21 : memref<4000xf32, #tpu.memory_space<hbm>>) target_semaphore(%arg20 : memref<!tpu.dma_semaphore, #tpu.memory_space<semaphore_mem>>)
    %dma_wait3A_22 = arith.constant 0 : i32
    %dma_wait3A_23 = tpu.memref_slice %arg5[%dma_wait3A_22] : memref<1280000xf32, #tpu.memory_space<vmem_shared>> -> memref<1280000xf32, #tpu.memory_space<vmem_shared>>
    tpu.wait_indirect_dma semaphore(%arg25 : memref<!tpu.dma_semaphore, #tpu.memory_space<semaphore_mem>>) src(%dma_wait3A_23 : memref<1280000xf32, #tpu.memory_space<vmem_shared>>) dst(%arg13 : memref<4000xf32, #tpu.memory_space<vmem>>)
    %add3A_24 = arith.constant 396000 : i32
    %add3A_25 = arith.addi %mul3A_2, %add3A_24 : i32
    %dma_start3A_26 = tpu.memref_slice %arg4[%add3A_25] : memref<12800000xf32, #tpu.memory_space<hbm>> -> memref<4000xf32, #tpu.memory_space<hbm>>
    %dma_start3A_27 = tpu.memref_slice %arg4[%add3A_25] : memref<12800000xf32, #tpu.memory_space<hbm>> -> memref<4000xf32, #tpu.memory_space<hbm>>
    tpu.enqueue_dma source(%arg13 : memref<4000xf32, #tpu.memory_space<vmem>>) target(%dma_start3A_27 : memref<4000xf32, #tpu.memory_space<hbm>>) target_semaphore(%arg21 : memref<!tpu.dma_semaphore, #tpu.memory_space<semaphore_mem>>)
    %dma_wait3A_28 = tpu.memref_slice %arg4[%mul3A_2] : memref<12800000xf32, #tpu.memory_space<hbm>> -> memref<4000xf32, #tpu.memory_space<hbm>>
    %dma_wait3A_29 = tpu.memref_slice %arg4[%mul3A_2] : memref<12800000xf32, #tpu.memory_space<hbm>> -> memref<4000xf32, #tpu.memory_space<hbm>>
    tpu.wait_dma2 semaphore(%arg18 : memref<!tpu.dma_semaphore, #tpu.memory_space<semaphore_mem>>) src(%arg10 : memref<4000xf32, #tpu.memory_space<vmem>>) dst(%dma_wait3A_29 : memref<4000xf32, #tpu.memory_space<hbm>>)
    %dma_wait3A_30 = tpu.memref_slice %arg4[%mul3A_2] : memref<12800000xf32, #tpu.memory_space<hbm>> -> memref<4000xf32, #tpu.memory_space<hbm>>
    %dma_wait3A_31 = tpu.memref_slice %arg4[%mul3A_2] : memref<12800000xf32, #tpu.memory_space<hbm>> -> memref<4000xf32, #tpu.memory_space<hbm>>
    tpu.wait_dma2 semaphore(%arg19 : memref<!tpu.dma_semaphore, #tpu.memory_space<semaphore_mem>>) src(%arg11 : memref<4000xf32, #tpu.memory_space<vmem>>) dst(%dma_wait3A_31 : memref<4000xf32, #tpu.memory_space<hbm>>)
    %dma_wait3A_32 = tpu.memref_slice %arg4[%mul3A_2] : memref<12800000xf32, #tpu.memory_space<hbm>> -> memref<4000xf32, #tpu.memory_space<hbm>>
    %dma_wait3A_33 = tpu.memref_slice %arg4[%mul3A_2] : memref<12800000xf32, #tpu.memory_space<hbm>> -> memref<4000xf32, #tpu.memory_space<hbm>>
    tpu.wait_dma2 semaphore(%arg20 : memref<!tpu.dma_semaphore, #tpu.memory_space<semaphore_mem>>) src(%arg12 : memref<4000xf32, #tpu.memory_space<vmem>>) dst(%dma_wait3A_33 : memref<4000xf32, #tpu.memory_space<hbm>>)
    %dma_wait3A_34 = tpu.memref_slice %arg4[%mul3A_2] : memref<12800000xf32, #tpu.memory_space<hbm>> -> memref<4000xf32, #tpu.memory_space<hbm>>
    %dma_wait3A_35 = tpu.memref_slice %arg4[%mul3A_2] : memref<12800000xf32, #tpu.memory_space<hbm>> -> memref<4000xf32, #tpu.memory_space<hbm>>
    tpu.wait_dma2 semaphore(%arg21 : memref<!tpu.dma_semaphore, #tpu.memory_space<semaphore_mem>>) src(%arg13 : memref<4000xf32, #tpu.memory_space<vmem>>) dst(%dma_wait3A_35 : memref<4000xf32, #tpu.memory_space<hbm>>)
    return
  }
}

</mosaic_0001>

<sc_bundles>
// kernel: kernel.3.cloned.1.call-start
scs
__scs_entry_jumppad:
0x0: {  	(pc) =	sbr.rel $0x88, $3  }
0x1: {  	(tag) =	ssettag $0x0;
	lr =	simm.s32 $0x1  }
0x2: {  	[smem:$0x3F9F] =	sst lr;
	_ =	strace $0xD0000000  }
0x3: {  	_ = 	snop  }
0x4: {  	_ = 	snop  }
0x5: {  	_ = 	snop  }
0x6: {  	_ = 	snop  }
0x7: {  	_ = 	snop  }
__scs_overlays_trampoline_lowered:
0x8: {  	[smem:$0x3FAE] =	sst s0  }
0x9: {  	[smem:$0x3FAF] =	sst s1  }
0xa: {  	[smem:$0x3FB0] =	sst s2  }
0xb: {  	[smem:$0x3FB1] =	sst s3  }
0xc: {  	[smem:$0x3FB2] =	sst s4  }
0xd: {  	[smem:$0x3FB3] =	sst s5  }
0xe: {  	[smem:$0x3FB4] =	sst s6  }
0xf: {  	[smem:$0x3FB5] =	sst s7  }
0x10: {  	[smem:$0x3FB6] =	sst s8  }
0x11: {  	[smem:$0x3FB7] =	sst s9;
	s0 =	simm.s32 @!p0 $0x0  }
0x12: {  	s1 =	sld [smem:$0x3F9D];
	s0 =	simm.s32 @p0 $0x1  }
0x13: {  	[smem:$0x3FB8] =	sst s0;
	s0 =	simm.s32 @!p1 $0x0  }
0x14: {  	s2 =	sld [smem:$0x3F9C];
	s0 =	simm.s32 @p1 $0x1  }
0x15: {  	[smem:$0x3FB9] =	sst s0;
	s0 =	simm.s32 @!p2 $0x0  }
0x16: {  	s3 =	sld [smem:$0x3FDB];
	s0 =	simm.s32 @p2 $0x1  }
0x17: {  	s4 =	simm.s32 $0x1BF5;
	[smem:$0x3FBB] =	sst s0  }
0x18: {  	s0 =	sld [smem:$0x3F9E];
	_ =	swait.ge [sflag:s4], $0x0  }
0x19: {  	s7 =	sld [smem:$0x3F9F]  }
0x1a: {  	s8 =	sadd.s32 $0xFFFFE003, lr  }
0x1b: {  	s9 =	sadd.s32 $0xFFFFFEF7, lr;
	s5 =	simm.s32 $0xFFFFFFFF;
	p2 =	slt.u32 s8, $0xFFFFF086  }
0x1c: {  	p1 =	slt.u32 s9, $0xF7A;
	s5 =	simm.s32 @!p2 $0x0  }
0x1d: {  	s5 =	simm.s32 @p1 $0x1;
	p0 =	seq.s32 s7, s2  }
0x1e: {  	s7 =	smul.u32 @!p0 $0xF7A, s2;
	p2 =	seq.s32 @!p0 s5, $0x0  }
0x1f: {  	s9 =	smul.u32 $0xF7A, s1;
	s8 =	simm.s32 @!p0 $0x1BF5;
	p2 =	por !p2, p0  }
0x20: {  	[sflag:s8] =	ssyncset.s32 @!p0 $0xFFFFF086;
	s6 =	sadd.s32 @!p0 s3, s7;
	s7 =	simm.s32 @!p0 $0x108  }
0x21: {  	s3 =	sadd.s32 s3, s9;
	s6 =	sadd.s32 @!p0 $0x88, s6;
	s7 =	simm.s32 @p2 $0x1082  }
0x22: {  	[simem:s7], [sflag:s8] =	dma.local @!p0 [hbm:s6], $0xF7A  }
0x23: {  	s9 =	sor.u32 $0xD0000000, s2;
	s6 =	simm.s32 $0x108;
	_ =	swait.ge @!p0 [sflag:s8], $0x0  }
0x24: {  	s3 =	sadd.s32 $0x88, s3;
	s6 =	simm.s32 @!p1 $0x1082;
	[sflag:s4] =	ssyncset.s32 $0xFFFFF086  }
0x25: {  	[simem:s6], [sflag:s4] =	dma.local [hbm:s3], $0xF7A  }
0x26: {  	[smem:$0x3F9F] =	sst s1;
	(tag) =	ssettag s2;
	_ =	strace s9  }
0x27: {  	s1 =	sld [smem:$0x3FAF]  }
0x28: {  	s2 =	sld [smem:$0x3FB0]  }
0x29: {  	s4 =	sld [smem:$0x3FB2]  }
0x2a: {  	p0 =	seq.s32 s5, $0x0;
	s5 =	sld [smem:$0x3FB3]  }
0x2b: {  	s6 =	sld [smem:$0x3FB4]  }
0x2c: {  	s7 =	sld [smem:$0x3FB5]  }
0x2d: {  	s3 =	simm.s32 $0x108;
	s8 =	sld [smem:$0x3FB6]  }
0x2e: {  	s3 =	simm.s32 @!p0 $0x1082;
	s9 =	sld [smem:$0x3FB7]  }
0x2f: {  	lr =	sadd.s32 s0, s3;
	s0 =	sld [smem:$0x3FAE]  }
0x30: {  	s3 =	sld [smem:$0x3FB1]  }
0x31: {  	[smem:$0x3FBA] =	sst s10  }
0x32: {  	s10 =	sld [smem:$0x3FB8];
	_ =	sdelay $0x3  }
0x33: {  	p0 =	seq.s32 s10, $0x1;
	s10 =	sld [smem:$0x3FBA];
	_ =	sdelay $0x3  }
0x34: {  	[smem:$0x3FBA] =	sst s10  }
0x35: {  	s10 =	sld [smem:$0x3FB9];
	_ =	sdelay $0x3  }
0x36: {  	p1 =	seq.s32 s10, $0x1;
	s10 =	sld [smem:$0x3FBA];
	_ =	sdelay $0x3  }
0x37: {  	[smem:$0x3FBA] =	sst s10  }
0x38: {  	s10 =	sld [smem:$0x3FBB]  }
0x39: {  	_ = 	snop;
	(pc) =	sbr.ind lr, $3  }
0x3a: {  	_ = 	snop  }
0x3b: {  	_ = 	snop  }
0x3c: {  	p2 =	seq.s32 s10, $0x1;
	s10 =	sld [smem:$0x3FBA]  }
0x3d: {  	_ =	shalt  }
0x3e: {  	_ =	shalt  }
0x3f: {  	_ =	shalt  }
0x40: {  	_ =	shalt  }
0x41: {  	_ =	shalt  }
0x42: {  	_ =	shalt  }
0x43: {  	_ =	shalt  }
0x44: {  	_ =	shalt  }
0x45: {  	_ =	shalt  }
0x46: {  	_ =	shalt  }
0x47: {  	_ =	shalt  }
0x48: {  	_ =	shalt  }
0x49: {  	_ =	shalt  }
0x4a: {  	_ =	shalt  }
0x4b: {  	_ =	shalt  }
0x4c: {  	_ =	shalt  }
0x4d: {  	_ =	shalt  }
0x4e: {  	_ =	shalt  }
0x4f: {  	_ =	shalt  }
0x50: {  	_ =	shalt  }
0x51: {  	_ =	shalt  }
0x52: {  	_ =	shalt  }
0x53: {  	_ =	shalt  }
0x54: {  	_ =	shalt  }
0x55: {  	_ =	shalt  }
0x56: {  	_ =	shalt  }
0x57: {  	_ =	shalt  }
0x58: {  	_ =	shalt  }
0x59: {  	_ =	shalt  }
0x5a: {  	_ =	shalt  }
0x5b: {  	_ =	shalt  }
0x5c: {  	_ =	shalt  }
0x5d: {  	_ =	shalt  }
0x5e: {  	_ =	shalt  }
0x5f: {  	_ =	shalt  }
0x60: {  	_ =	shalt  }
0x61: {  	_ =	shalt  }
0x62: {  	_ =	shalt  }
0x63: {  	_ =	shalt  }
0x64: {  	_ =	shalt  }
0x65: {  	_ =	shalt  }
0x66: {  	_ =	shalt  }
0x67: {  	_ =	shalt  }
0x68: {  	_ =	shalt  }
0x69: {  	_ =	shalt  }
0x6a: {  	_ =	shalt  }
0x6b: {  	_ =	shalt  }
0x6c: {  	_ =	shalt  }
0x6d: {  	_ =	shalt  }
0x6e: {  	_ =	shalt  }
0x6f: {  	_ =	shalt  }
0x70: {  	_ =	shalt  }
0x71: {  	_ =	shalt  }
0x72: {  	_ =	shalt  }
0x73: {  	_ =	shalt  }
0x74: {  	_ =	shalt  }
0x75: {  	_ =	shalt  }
0x76: {  	_ =	shalt  }
0x77: {  	_ =	shalt  }
0x78: {  	_ =	shalt  }
0x79: {  	_ =	shalt  }
0x7a: {  	_ =	shalt  }
0x7b: {  	_ =	shalt  }
0x7c: {  	_ =	shalt  }
0x7d: {  	_ =	shalt  }
0x7e: {  	_ =	shalt  }
0x7f: {  	_ =	shalt  }
0x80: {  	_ =	shalt  }
0x81: {  	_ =	shalt  }
0x82: {  	_ =	shalt  }
0x83: {  	_ =	shalt  }
0x84: {  	_ =	shalt  }
0x85: {  	_ =	shalt  }
0x86: {  	_ =	shalt  }
0x87: {  	_ =	shalt  }
.Lfunc_end0:
.L_simem_size_0:
called_computation_lowered:
.L_overlay_start_0:
0x88: {  	s2 =	sld [smem:$0x3FD9]  }
0x89: {  	s3 =	sld [smem:$0x3FFE];
	_ =	sdelay $0x1  }
0x8a: {  	s1 =	srdreg.scid  }
0x8b: {  	s0 =	sand.u32 $0x1, s1  }
0x8c: {  	s18 =	sshll.u32 s0, $0xA;
	s2 =	sadd.s32 s3, s2  }
0x8d: {  	s2 =	sadd.s32 s2, s18  }
0x8e: {  	[smem:$0x3FC6] =	sst s2  }
0x8f: {  	_ = 	snop  }
0x90: {  	s2 =	sld [smem:$0x3FC9]  }
0x91: {  	s19 =	sld [smem:$0x3FC8]  }
0x92: {  	s4 =	sld [smem:$0x3FD0];
	(tm) =	ssettm $0x1  }
0x93: {  	s5 =	sld [smem:$0x3FFB];
	_ =	sdelay $0x3  }
0x94: {  	_ =	strace s5  }
0x95: {  	s5 =	sld [smem:$0x3FFC];
	_ =	sdelay $0x3  }
0x96: {  	_ =	strace s5  }
0x97: {  	s5 =	sld [smem:$0x3FFD];
	_ =	sdelay $0x3  }
0x98: {  	_ =	strace s5  }
0x99: {  	_ =	strace $0x8FFFFFFF  }
0x9a: {  	s20 =	sld [smem:$0x3FDB];
	_ =	sdelay $0x1  }
0x9b: {  	s6 =	simm.s32 $_scs_section_size  }
0x9c: {  	s7 =	simm.s32 $_size__tile_overlayer_lowered;
	s8 =	simm.s32 $_tile_overlayer_lowered  }
0x9d: {  	s23 =	simm.s32 $0x1BFF;
	s22 =	sshll.u32 s8, $0x1;
	s5 =	sadd.s32 s6, s20  }
0x9e: {  	s9 =	simm.s32 $0x0;
	s21 =	sshll.u32 s7, $0x1;
	s7 =	sadd.s32 s22, s5  }
0x9f: {  	[timem:s9], [sflag:s23] =	dma.local [hbm:s7], s21  }
0xa0: {  	_ =	swait.ge [sflag:s23], s21  }
0xa1: {  	s6 =	ssub.s32 $0x0, s21;
	[sflag:s23] =	ssyncset.done $0x0  }
0xa2: {  	[sflag:s23] =	ssyncadd.s32 s6;
	_ =	sdelay $0x1  }
0xa3: {  	s24 =	simm.s32 $0x1B8B  }
0xa4: {  	_ =	swait.ge [sflag:s24], $0x1  }
0xa5: {  	[sflag:s24] =	ssyncset.done $0x0  }
0xa6: {  	s25 =	simm.s32 $0x1B8E;
	[sflag:s24] =	ssyncadd.s32 $0xFFFFFFFF  }
0xa7: {  	s26 =	simm.s32 $execute0_lowered;
	[smem:$0x3FD2] =	sst s25  }
0xa8: {  	s6 =	sshll.u32 s26, $0x1;
	_ =	strace $0x80000046;
	[dreg:$0x1] =	wrdreg $0xFFFFFFFF  }
0xa9: {  	s28 =	simm.s32 $_size_execute0_lowered;
	s5 =	sadd.s32 s5, s6;
	[dreg:$0x0] =	wrdreg $0x0  }
0xaa: {  	s6 =	sshll.u32 s28, $0x1;
	[dreg:$0x2] =	wrdreg s5  }
0xab: {  	[dreg:$0x3] =	wrdreg s6  }
0xac: {  	[dreg:$0x4] =	wrdreg $0xC0  }
0xad: {  	_ =	task [dreg:s9], $0x5FFFF  }
0xae: {  	[dreg:$0x1] =	wrdreg $0xFFFFFFFF  }
0xaf: {  	[dreg:$0x0] =	wrdreg $0x60  }
0xb0: {  	[dreg:$0x2] =	wrdreg s2  }
0xb1: {  	[dreg:$0x3] =	wrdreg s19  }
0xb2: {  	[dreg:$0x4] =	wrdreg s4  }
0xb3: {  	[dreg:$0x5] =	wrdreg $0x0  }
0xb4: {  	[dreg:$0x6] =	wrdreg $0x9  }
0xb5: {  	_ =	task.clear_ibuf [dreg:s9], $0x7FFFF;
	_ =	strace $0x90000046  }
0xb6: {  	s29 =	simm.s32 $0x9;
	_ =	strace $0x80000048  }
0xb7: {  	_ =	swait.ge [sflag:s29], $0x1  }
0xb8: {  	[sflag:s29] =	ssyncadd.s32 $0xFFFFFFFF  }
0xb9: {  	_ =	strace $0x90000048  }
0xba: {  	_ =	sfence  }
0xbb: {  	s30 =	sld [smem:$0x0];
	_ =	sdelay $0x2  }
0xbc: {  	s31 =	sshll.u32 s1, $0xD;
	s1 =	sshrl.u32 s1, $0x2  }
0xbd: {  	s3 =	sand.u32 $0x4000, s31;
	s1 =	sadd.s32 s1, s30  }
0xbe: {  	s0 =	sor.u32 s3, s0;
	s1 =	sshll.u32 s1, $0x11  }
0xbf: {  	s0 =	sor.u32 s1, s0  }
0xc0: {  	s0 =	sadd.s32 $0x8F2B, s0  }
0xc1: {  	[sflag:s0] =	ssyncadd.remote.s32 $0x1  }
0xc2: {  	_ =	sfence.sel $0xFFFF  }
0xc3: {  	[dreg:$0x0] =	wrdreg $0xFFFFFFFF;
	(pc) =	sbr.abs _section_cstart, $3  }
0xc4: {  	[dreg:$0x1] =	wrdreg $0xFFFFFFFF  }
0xc5: {  	_ =	task.clear_ibuf [dreg:s9], $0x2FFFF;
	_ =	strace $0x9FFFFFFF  }
0xc6: {  	(tm) =	ssettm $0x7FFFFFFF  }
0xc7: {  	_ =	shalt  }
tec
execute0_lowered:
.L_overlay_start_1:
0x0: {  	(tag) =	ssettag $0x1  }
0x1: {  	s0 =	rddreg [dreg:$0x0]  }
0x2: {  	s2 =	srdreg.scid;
	s1 =	rddreg [dreg:$0x1]  }
0x3: {  	s3 =	rddreg [dreg:$0x2];
	s14 =	stileid.u32  }
0x4: {  	s4 =	rddreg [dreg:$0x3];
	s28 =	simm.s32 $0x2;
	s29 =	simm.s32 $0x16880  }
0x5: {  	s30 =	simm.s32 $0x3;
	s31 =	simm.s32 $0xFA0;
	s12 =	smul.u32 $0x13880, s14  }
0x6: {  	s2 =	sand.u32 $0x1, s2;
	s18 =	sshll.u32 s14, $0x6;
	s21 =	smul.u32 $0x61A80, s14  }
0x7: {  	s5 =	sshll.u32 s2, $0x4;
	s8 =	ssub.s32 $0x2, s2;
	s19 =	sor.u32 $0x1C0D, s18  }
0x8: {  	s20 =	smul.u32 $0x61A800, s2;
	s2 =	simm.s32 $0x19880;
	s18 =	simm.s32 $0x18880  }
0x9: {  	s6 =	sor.u32 s14, s5;
	s5 =	simm.s32 $0x0;
	s9 =	sshrl.u32 s8, $0x1  }
0xa: {  	s15 =	sadd.s32 s12, s4;
	s17 =	sshrl.u32 s12, $0x3;
	s6 =	smul.u32 $0x61A80, s6  }
0xb: {  	[smem:$0x7FF] =	sst s5;
	s8 =	ssub.s32 s8, s9;
	s0 =	sadd.s32 s0, s17  }
0xc: {  	s9 =	simm.s32 $0x4;
	_ =	strace $0x80000047;
	[dreg:$0x7] =	wrdreg s0  }
0xd: {  	s17 =	simm.s32 $0xA;
	[dreg:$0x8] =	wrdreg s19;
	s0 =	sadd.s32 s21, s20  }
0xe: {  	s25 =	smax.u32 s8, $0x1;
	s7 =	sadd.s32 $0xFA0, s6;
	s10 =	sshrl.u32 s6, $0x3  }
0xf: {  	s12 =	sadd.s32 $0x1F40, s6;
	s14 =	sadd.s32 $0x2EE0, s6;
	s22 =	sadd.s32 $0x3E80, s6  }
0x10: {  	s16 =	sadd.s32 $0x4E20, s6;
	[dreg:$0xc] =	wrdreg s25;
	s20 =	sadd.s32 $0xFFFFE0C0, s0  }
0x11: {  	s25 =	simm.s32 $0x1;
	s0 =	simm.s32 $0x9;
	s11 =	sshrl.u32 s7, $0x3  }
0x12: {  	s26 =	sadd.s32 s1, s10;
	[dreg:$0x9] =	wrdreg s22;
	s10 =	sadd.s32 s3, s10  }
.Ltmp0:
0x13: {  	[dreg:$0x5] =	wrdreg s26;
	s13 =	sadd.s32 s1, s11;
	(pc) =	sbr.rel .LBB2_1-.Ltmp0, $4  }
0x14: {  	s23 =	sadd.s32 $0xBF68, s10;
	s24 =	sadd.s32 $0xC15C, s10;
	[dreg:$0x6] =	wrdreg s13  }
0x15: {  	s26 =	sshrl.u32 s15, $0x3;
	s10 =	simm.s32 $0x8;
	[dreg:$0xa] =	wrdreg s23  }
0x16: {  	s11 =	simm.s32 $0x1A880;
	s15 =	simm.s32 $0x0;
	[dreg:$0xb] =	wrdreg s24  }
0x17: {  	s13 =	sadd.s32 $0xFFFFF060, s6;
	[dreg:$0xd] =	wrdreg s26;
	s26 =	simm.s32 $0x15880  }
.LBB2_8:
0x18: {  	s8 =	simm.s32 $0xB  }
0x19: {  	_ =	swait.ge [sflag:s8], $0xFA0  }
0x1a: {  	[sflag:s8] =	ssyncset.done $0x0  }
0x1b: {  	s15 =	simm.s32 $0xC;
	s24 =	rddreg [dreg:$0xa];
	[sflag:s8] =	ssyncadd.s32 $0xFFFFF060  }
0x1c: {  	[hbm4b:s24+s5] =	stream.linear.scatter [tilespmem:s2], [sflag:$0x7], $0xFA0, $0x38;
	[tilespmem:$0x1B880] =	vst v63  }
0x1d: {  	_ =	swait.ge [sflag:s15], $0xFA0  }
0x1e: {  	[sflag:s15] =	ssyncset.done $0x0  }
0x1f: {  	s21 =	simm.s32 $0x5;
	s19 =	rddreg [dreg:$0xb];
	[sflag:s15] =	ssyncadd.s32 $0xFFFFF060  }
0x20: {  	[hbm4b:s19+s5] =	stream.linear.scatter [tilespmem:s11], [sflag:$0x8], $0xFA0, $0x38;
	[tilespmem:$0x1B880] =	vst v63  }
0x21: {  	_ =	swait.ge [sflag:s21], $0xFA0  }
0x22: {  	[sflag:s21] =	ssyncset.done $0x0  }
0x23: {  	s22 =	simm.s32 $0x6;
	[sflag:s21] =	ssyncadd.s32 $0xFFFFF060  }
0x24: {  	_ =	swait.ge [sflag:s22], $0xFA0  }
0x25: {  	[sflag:s22] =	ssyncset.done $0x0  }
0x26: {  	s23 =	simm.s32 $0x7;
	[sflag:s22] =	ssyncadd.s32 $0xFFFFF060  }
0x27: {  	_ =	swait.ge [sflag:s23], $0xFA0  }
0x28: {  	[sflag:s23] =	ssyncset.done $0x0  }
0x29: {  	[sflag:s23] =	ssyncadd.s32 $0xFFFFF060  }
0x2a: {  	_ =	swait.ge [sflag:s10], $0xFA0  }
0x2b: {  	s15 =	rddreg [dreg:$0xe]  }
0x2c: {  	s24 =	rddreg [dreg:$0xc];
	s15 =	sadd.s32 $0x1, s15  }
0x2d: {  	p0 =	sne.s32 s15, s24  }
.Ltmp1:
0x2e: {  	_ = 	snop;
	(pc) =	sbr.rel @!p0 .LBB2_9-.Ltmp1, $3  }
0x2f: {  	_ =	sdelay $0x1  }
0x30: {  	[sflag:s10] =	ssyncset.done $0x0  }
0x31: {  	[sflag:s10] =	ssyncadd.s32 $0xFFFFF060  }
.LBB2_1:
0x32: {  	[dreg:$0xe] =	wrdreg s15  }
0x33: {  	s8 =	rddreg [dreg:$0x5]  }
0x34: {  	s19 =	rddreg [dreg:$0x6]  }
0x35: {  	s24 =	simm.s32 $0x13880;
	s22 =	rddreg [dreg:$0x7]  }
0x36: {  	[tilespmem:s24], [sflag:$0x1] =	stream.linear.gather [hbm4b:s8+s5], $0xFA0, $0x38;
	[tilespmem:$0x1B880] =	vst v63  }
0x37: {  	s21 =	simm.s32 $0x14880;
	s23 =	rddreg [dreg:$0x8]  }
0x38: {  	[tilespmem:s21], [sflag:$0x2] =	stream.linear.gather [hbm4b:s19+s5], $0xFA0, $0x38;
	[tilespmem:$0x1B880] =	vst v63  }
0x39: {  	s24 =	simm.s32 $0xD;
	s19 =	rddreg [dreg:$0xd]  }
0x3a: {  	[spmem:s19], [sflag:s23] =	dma.local [hbm:s22], $0x2710  }
0x3b: {  	_ =	swait.ge [sflag:s24], $0x2710  }
0x3c: {  	[sflag:s24] =	ssyncset.done $0x0  }
0x3d: {  	[sflag:s24] =	ssyncadd.s32 $0xFFFFD8F0  }
0x3e: {  	s23 =	simm.s32 $0x0;
	[bflag:$0x0] =	sbarrier.arrive $0xFFFF  }
.LBB2_2:
0x3f: {  	_ =	swait.ge [sflag:s25], $0xFA0  }
0x40: {  	p0 =	sne.s32 s23, $0x0;
	[sflag:s25] =	ssyncset.done $0x0  }
0x41: {  	s19 =	simm.s32 @p0 $0x5;
	[sflag:s25] =	ssyncadd.s32 $0xFFFFF060  }
0x42: {  	_ =	swait.ge @p0 [sflag:s19], $0xFA0  }
0x43: {  	s24 =	simm.s32 @p0 $0xFA0;
	[sflag:s19] =	ssyncset.done @p0 $0x0  }
0x44: {  	s21 =	simm.s32 @p0 $0x17880;
	[sflag:s19] =	ssyncadd.s32 @p0 $0xFFFFF060;
	s19 =	simm.s32 @p0 $0x13880  }
0x45: {  	[tilespmem:s21], [sflag:$0x9] =	stream.indirect.gather @p0 [spmem:s4], $0x1, s19, s24, $0xb8;
	[tilespmem:$0x1B880] =	vst v63  }
0x46: {  	s19 =	simm.s32 @p0 $0xB  }
0x47: {  	_ =	swait.ge @p0 [sflag:s19], $0xFA0  }
0x48: {  	s21 =	sadd.s32 @p0 s23, s20;
	[sflag:s19] =	ssyncset.done @p0 $0x0  }
0x49: {  	[sflag:s19] =	ssyncadd.s32 @p0 $0xFFFFF060;
	s19 =	sshrl.u32 @p0 s21, $0x3  }
0x4a: {  	s15 =	simm.s32 @p0 $0x19880;
	s21 =	simm.s32 @p0 $0x0;
	s19 =	sadd.s32 @p0 s3, s19  }
0x4b: {  	[hbm4b:s19+s21] =	stream.linear.scatter @p0 [tilespmem:s15], [sflag:$0x7], $0xFA0, $0x38;
	[tilespmem:$0x1B880] =	vst v63  }
0x4c: {  	s22 =	simm.s32 @!p0 $0x17880;
	s15 =	simm.s32 @!p0 $0xFA0;
	s19 =	simm.s32 @!p0 $0x13880  }
0x4d: {  	[tilespmem:s22], [sflag:$0x9] =	stream.indirect.gather @!p0 [spmem:s4], $0x1, s19, s15, $0xb8;
	[tilespmem:$0x1B880] =	vst v63  }
0x4e: {  	s19 =	smov.u32 s23  }
0x4f: {  	s19 =	simm.s32 @!p0 $0x0  }
0x50: {  	s8 =	sadd.s32 s19, s12  }
0x51: {  	s22 =	sshrl.u32 s8, $0x3  }
0x52: {  	s22 =	sadd.s32 s1, s22  }
0x53: {  	[tilespmem:s26], [sflag:$0x3] =	stream.linear.gather [hbm4b:s22+s5], $0xFA0, $0x38;
	[tilespmem:$0x1B880] =	vst v63  }
0x54: {  	_ =	swait.ge [sflag:s28], $0xFA0  }
0x55: {  	[sflag:s28] =	ssyncset.done $0x0  }
0x56: {  	s22 =	simm.s32 @p0 $0x6;
	[sflag:s28] =	ssyncadd.s32 $0xFFFFF060  }
0x57: {  	_ =	swait.ge @p0 [sflag:s22], $0xFA0  }
0x58: {  	[sflag:s22] =	ssyncset.done @p0 $0x0  }
0x59: {  	s8 =	simm.s32 @p0 $0x18880;
	[sflag:s22] =	ssyncadd.s32 @p0 $0xFFFFF060;
	s22 =	simm.s32 @p0 $0x14880  }
0x5a: {  	[tilespmem:s8], [sflag:$0xA] =	stream.indirect.gather @p0 [spmem:s4], $0x1, s22, s24, $0xb8;
	[tilespmem:$0x1B880] =	vst v63  }
0x5b: {  	s8 =	simm.s32 @p0 $0xC  }
0x5c: {  	s22 =	sadd.s32 @p0 s19, s13;
	_ =	swait.ge @p0 [sflag:s8], $0xFA0  }
0x5d: {  	s22 =	sshrl.u32 @p0 s22, $0x3;
	[sflag:s8] =	ssyncset.done @p0 $0x0  }
0x5e: {  	[sflag:s8] =	ssyncadd.s32 @p0 $0xFFFFF060;
	s8 =	sadd.s32 @p0 s3, s22;
	s22 =	simm.s32 @p0 $0x1A880  }
0x5f: {  	[hbm4b:s8+s21] =	stream.linear.scatter @p0 [tilespmem:s22], [sflag:$0x8], $0xFA0, $0x38;
	[tilespmem:$0x1B880] =	vst v63  }
0x60: {  	s8 =	simm.s32 @!p0 $0x14880;
	s21 =	simm.s32 @!p0 $0x18880  }
0x61: {  	[tilespmem:s21], [sflag:$0xA] =	stream.indirect.gather @!p0 [spmem:s4], $0x1, s8, s15, $0xb8;
	[tilespmem:$0x1B880] =	vst v63  }
0x62: {  	s21 =	sadd.s32 s19, s14  }
0x63: {  	s8 =	sshrl.u32 s21, $0x3  }
0x64: {  	s8 =	sadd.s32 s1, s8  }
0x65: {  	[tilespmem:s29], [sflag:$0x4] =	stream.linear.gather [hbm4b:s8+s5], $0xFA0, $0x38;
	[tilespmem:$0x1B880] =	vst v63  }
0x66: {  	_ =	swait.ge [sflag:s30], $0xFA0  }
0x67: {  	p0 =	seq.s32 s23, $0x0;
	[sflag:s30] =	ssyncset.done $0x0  }
0x68: {  	s8 =	simm.s32 @!p0 $0x7;
	[sflag:s30] =	ssyncadd.s32 $0xFFFFF060  }
0x69: {  	_ =	swait.ge @!p0 [sflag:s8], $0xFA0  }
0x6a: {  	[sflag:s8] =	ssyncset.done @!p0 $0x0  }
0x6b: {  	p1 =	sne.s32 s23, $0x5DC00;
	[sflag:s8] =	ssyncadd.s32 @!p0 $0xFFFFF060  }
0x6c: {  	[tilespmem:s2], [sflag:$0xB] =	stream.indirect.gather [spmem:s4], $0x1, s26, s31, $0xb8;
	[tilespmem:$0x1B880] =	vst v63  }
.Ltmp2:
0x6d: {  	_ = 	snop;
	(pc) =	sbr.rel @p1 .LBB2_4-.Ltmp2, $4  }
0x6e: {  	s22 =	sadd.s32 s6, s19;
	_ =	swait.ge [sflag:s0], $0xFA0  }
0x6f: {  	s8 =	sshrl.u32 s22, $0x3;
	[sflag:s0] =	ssyncset.done $0x0  }
0x70: {  	s24 =	simm.s32 $0x17880;
	s8 =	sadd.s32 s3, s8;
	[sflag:s0] =	ssyncadd.s32 $0xFFFFF060  }
0x71: {  	[hbm4b:s8+s5] =	stream.linear.scatter [tilespmem:s24], [sflag:$0x5], $0xFA0, $0x38;
	[tilespmem:$0x1B880] =	vst v63  }
.Ltmp3:
0x72: {  	(pc) =	sbr.rel .LBB2_5-.Ltmp3, $4  }
0x73: {  	_ = 	snop  }
0x74: {  	_ =	swait.ge [sflag:s9], $0xFA0  }
0x75: {  	[sflag:s9] =	ssyncset.done $0x0  }
0x76: {  	[sflag:s9] =	ssyncadd.s32 $0xFFFFF060  }
.LBB2_4:
0x77: {  	s8 =	rddreg [dreg:$0x9]  }
0x78: {  	s8 =	sadd.s32 s19, s8  }
0x79: {  	s8 =	sshrl.u32 s8, $0x3  }
.Ltmp4:
0x7a: {  	s15 =	simm.s32 $0x13880;
	s8 =	sadd.s32 s1, s8;
	(pc) =	sbr.rel @p0 .LBB2_6-.Ltmp4, $4  }
0x7b: {  	[tilespmem:s15], [sflag:$0x1] =	stream.linear.gather [hbm4b:s8+s5], $0xFA0, $0x38;
	[tilespmem:$0x1B880] =	vst v63  }
0x7c: {  	_ =	swait.ge [sflag:s9], $0xFA0  }
0x7d: {  	[sflag:s9] =	ssyncset.done $0x0  }
0x7e: {  	[sflag:s9] =	ssyncadd.s32 $0xFFFFF060  }
.LBB2_5:
0x7f: {  	_ =	swait.ge [sflag:s10], $0xFA0  }
0x80: {  	[sflag:s10] =	ssyncset.done $0x0  }
0x81: {  	[sflag:s10] =	ssyncadd.s32 $0xFFFFF060  }
.LBB2_6:
0x82: {  	[tilespmem:s11], [sflag:$0xC] =	stream.indirect.gather [spmem:s4], $0x1, s29, s31, $0xb8;
	[tilespmem:$0x1B880] =	vst v63  }
0x83: {  	p0 =	seq.s32 s23, $0x5DC00  }
.Ltmp5:
0x84: {  	_ = 	snop;
	(pc) =	sbr.rel @p0 .LBB2_8-.Ltmp5, $4  }
0x85: {  	s8 =	sadd.s32 s19, s7;
	_ =	swait.ge [sflag:s17], $0xFA0  }
0x86: {  	s8 =	sshrl.u32 s8, $0x3;
	[sflag:s17] =	ssyncset.done $0x0  }
0x87: {  	s8 =	sadd.s32 s3, s8;
	[sflag:s17] =	ssyncadd.s32 $0xFFFFF060  }
0x88: {  	[hbm4b:s8+s5] =	stream.linear.scatter [tilespmem:s18], [sflag:$0x6], $0xFA0, $0x38;
	[tilespmem:$0x1B880] =	vst v63  }
.Ltmp6:
0x89: {  	(pc) =	sbr.rel .LBB2_2-.Ltmp6, $4  }
0x8a: {  	s8 =	sadd.s32 s19, s16  }
0x8b: {  	s8 =	sshrl.u32 s8, $0x3  }
0x8c: {  	s15 =	simm.s32 $0x14880;
	s23 =	sadd.s32 $0x3E80, s23;
	s8 =	sadd.s32 s1, s8  }
0x8d: {  	[tilespmem:s15], [sflag:$0x2] =	stream.linear.gather [hbm4b:s8+s5], $0xFA0, $0x38;
	[tilespmem:$0x1B880] =	vst v63  }
.LBB2_9:
0x8e: {  	_ =	sfence.sel $0x180000  }
0x8f: {  	[bflag:$0x0] =	sbarrier.arrive $0xFFFF  }
0x90: {  	_ =	strace $0x90000047  }
0x91: {  	s0 =	stileid.u32;
	[bflag:$0x2] =	sbarrier.arrive $0xFFFF  }
0x92: {  	p0 =	sne.s32 s0, $0x0;
	s0 =	rddreg [dreg:$0x4]  }
0x93: {  	s0 =	sadd.s32 @!p0 $0x100000, s0  }
0x94: {  	[sflag:s0] =	ssyncadd.tile.s32 @!p0 $0x1;
	_ =	shalt  }
.Lfunc_end2:
_tile_overlayer_lowered:
.L_overlay_start_2:
0x95: {  	(tag) =	ssettag $0x2  }
0x96: {  	s0 =	rddreg [dreg:$0x0];
	s2 =	stileid.u32  }
0x97: {  	s1 =	rddreg [dreg:$0x1];
	p0 =	sne.s32 s2, $0x0  }
0x98: {  	s3 =	rddreg [dreg:$0x2];
	[bflag:$0x3] =	sbarrier.arrive $0xFFFF;
	s2 =	simm.s32 @!p0 $0x1C0D  }
0x99: {  	[timem:s3], [sflag:s2] =	dma.local @!p0 [hbm:s0], s1  }
0x9a: {  	s0 =	simm.s32 @!p0 $0xD  }
0x9b: {  	_ =	swait.ge @!p0 [sflag:s0], s1  }
0x9c: {  	s1 =	ssub.s32 @!p0 $0x0, s1;
	[sflag:s0] =	ssyncset.done @!p0 $0x0  }
0x9d: {  	[sflag:s0] =	ssyncadd.s32 @!p0 s1  }
0x9e: {  	[bflag:$0x3] =	sbarrier.arrive $0xFFFF  }
0x9f: {  	_ =	shalt  }

</sc_bundles>
